<compile_context>
chip_gen: v7x
topology: tpu7x:2x2x1
jax: 0.10.2.dev20260603
libtpu: 0.0.44.dev20260713+nightly
codegen_flags: <defaults>
</compile_context>

<pallas_src>
import functools
import jax
import jax.numpy as jnp
from jax import lax
from jax.experimental import pallas as pl
from jax.experimental.pallas import tpu as pltpu
from jax.experimental.pallas import tpu_sc as plsc

_N = 10000
_E = 320000
_H = 64
_G = 128
_NOUT = 10

_NC, _NS = 2, 16
_NW = _NC * _NS
_CHUNK = 128
_EPW_CH = 80
_EPW = _CHUNK * _EPW_CH
_E_PAD = _NW * _EPW
_NPAD = 10240
_ROWS_PT = _NPAD // _NS


def _sc_agg_body(y_hbm, src_hbm, dst_hbm, zero_hbm, out_hbm,
                 src_v, dst_v, rows_v, sem_g, sem_s, y_sh, table_sh):
    c = lax.axis_index("c")
    s = lax.axis_index("s")
    w = c * _NS + s

    pltpu.sync_copy(y_hbm.at[pl.ds(s * _ROWS_PT, _ROWS_PT)],
                    y_sh.at[pl.ds(s * _ROWS_PT, _ROWS_PT)])
    pltpu.sync_copy(zero_hbm, table_sh.at[pl.ds(s * _ROWS_PT, _ROWS_PT)])
    pltpu.sync_copy(src_hbm.at[w], src_v)
    pltpu.sync_copy(dst_hbm.at[w], dst_v)
    plsc.subcore_barrier()

    pltpu.async_copy(y_sh.at[src_v.at[0]], rows_v.at[0], sem_g)

    def step(j, _):
        b = lax.rem(j, 2)
        nb = 1 - b
        pltpu.make_async_copy(y_sh.at[src_v.at[j]], rows_v.at[b], sem_g).wait()

        @pl.when(j < _EPW_CH - 1)
        def _():
            pltpu.async_copy(y_sh.at[src_v.at[j + 1]], rows_v.at[nb], sem_g)

        pltpu.async_copy(rows_v.at[b], table_sh.at[dst_v.at[j]], sem_s,
                         add=True).wait()
        return 0

    lax.fori_loop(0, _EPW_CH, step, 0)
    plsc.subcore_barrier()
    pltpu.sync_copy(table_sh.at[pl.ds(s * _ROWS_PT, _ROWS_PT)],
                    out_hbm.at[c, pl.ds(s * _ROWS_PT, _ROWS_PT)])


@functools.lru_cache(maxsize=None)
def _build_sc_agg():
    return functools.partial(
        pl.kernel,
        out_type=jax.ShapeDtypeStruct((_NC, _NPAD, _H), jnp.float32),
        mesh=plsc.VectorSubcoreMesh(core_axis_name="c", subcore_axis_name="s",
                                    num_cores=_NC, num_subcores=_NS),
        compiler_params=pltpu.CompilerParams(use_tc_tiling_on_sc=False),
        scratch_types=[
            pltpu.VMEM((_EPW_CH, _CHUNK), jnp.int32),
            pltpu.VMEM((_EPW_CH, _CHUNK), jnp.int32),
            pltpu.VMEM((2, _CHUNK, _H), jnp.float32),
            pltpu.SemaphoreType.DMA,
            pltpu.SemaphoreType.DMA,
            pltpu.VMEM_SHARED((_NPAD, _H), jnp.float32),
            pltpu.VMEM_SHARED((_NPAD, _H), jnp.float32),
        ],
    )(_sc_agg_body)


def _sc_agg(y, src_p, dst_p, zero_blk):
    return _build_sc_agg()(y, src_p, dst_p, zero_blk)


def _mm(a, b):
    return jnp.dot(a, b, preferred_element_type=jnp.float32,
                   precision=lax.Precision.HIGHEST)


_NP2 = _NPAD // 2
_N2 = _N // 2


def _tc0_body(x_ref, w_ref, o_ref):
    xv = x_ref[...]
    w = w_ref[...]
    ye = _mm(xv[:, :128], w)
    yo = _mm(xv[:, 128:], w)
    o_ref[:_N2, :] = jnp.concatenate([ye, yo], axis=1)
    o_ref[_N2:, :] = jnp.zeros((_NP2 - _N2, 2 * _H), jnp.float32)


def _tc_mid_body(y_ref, p_ref, eps_ref, b1_ref, w2_ref, b2_ref,
                 g_ref, bb_ref, wn_ref, oy_ref, ohn_ref):
    y = y_ref[:_N2, :]
    agg = p_ref[0, :_N2, :] + p_ref[1, :_N2, :]
    pre = (1.0 + eps_ref[0, 0]) * y + agg + b1_ref[...]
    h = _mm(jnp.maximum(pre, 0.0), w2_ref[...]) + b2_ref[...]
    h = jnp.maximum(h, 0.0)
    sh = jnp.sum(h, axis=0)
    mu64 = (sh[:_H] + sh[_H:]) / jnp.float32(_N)
    mu = jnp.concatenate([mu64, mu64])
    d = h - mu
    sv = jnp.sum(d * d, axis=0)
    var64 = (sv[:_H] + sv[_H:]) / jnp.float32(_N)
    var = jnp.concatenate([var64, var64])
    hn = d * lax.rsqrt(var + 1e-5) * g_ref[...] + bb_ref[...]
    ohn_ref[...] = hn
    oy_ref[:_N2, :] = _mm(hn, wn_ref[...])
    oy_ref[_N2:, :] = jnp.zeros((_NP2 - _N2, 2 * _H), jnp.float32)


def _tc_fin_body(hn_ref, batch_ref, fc1w_ref, fc1b_ref,
                 fc2w_ref, fc2b_ref, o_ref):
    hn = hn_ref[...]
    ohe = (batch_ref[:, 0:1] == lax.broadcasted_iota(jnp.int32, (_N2, _G), 1)
           ).astype(jnp.float32)
    oho = (batch_ref[:, 1:2] == lax.broadcasted_iota(jnp.int32, (_N2, _G), 1)
           ).astype(jnp.float32)
    dn = (((0,), (0,)), ((), ()))
    sums = (lax.dot_general(ohe, hn[:, :_H], dn,
                            preferred_element_type=jnp.float32,
                            precision=lax.Precision.HIGHEST) +
            lax.dot_general(oho, hn[:, _H:], dn,
                            preferred_element_type=jnp.float32,
                            precision=lax.Precision.HIGHEST))
    counts = jnp.sum(ohe, axis=0) + jnp.sum(oho, axis=0)
    pooled = sums / jnp.maximum(counts, 1.0)[:, None]
    t = _mm(pooled, fc1w_ref[...]) + fc1b_ref[...]
    t = jnp.where(t > 0.0, t, jnp.exp(t) - 1.0)
    logits = _mm(t, fc2w_ref[...]) + fc2b_ref[...]
    m = jnp.max(logits, axis=1, keepdims=True)
    lse = jnp.log(jnp.sum(jnp.exp(logits - m), axis=1, keepdims=True)) + m
    o_ref[...] = logits - lse


_tc0 = pl.pallas_call(
    _tc0_body, out_shape=jax.ShapeDtypeStruct((_NP2, 2 * _H), jnp.float32))

_tc_mid = pl.pallas_call(
    _tc_mid_body,
    out_shape=(jax.ShapeDtypeStruct((_NP2, 2 * _H), jnp.float32),
               jax.ShapeDtypeStruct((_N2, 2 * _H), jnp.float32)),
    input_output_aliases={0: 0})

_tc_fin = pl.pallas_call(
    _tc_fin_body, out_shape=jax.ShapeDtypeStruct((_G, _G), jnp.float32))


def kernel(x, edge_index, batch, eps1, eps2, eps3,
           nn1_W1, nn1_b1, nn1_W2, nn1_b2,
           nn2_W1, nn2_b1, nn2_W2, nn2_b2,
           nn3_W1, nn3_b1, nn3_W2, nn3_b2,
           bn1_g, bn1_b, bn2_g, bn2_b, bn3_g, bn3_b,
           fc1_W, fc1_b, fc2_W, fc2_b):
    pad = _E_PAD - _E
    src_p = jnp.concatenate(
        [edge_index[0], jnp.zeros((pad,), jnp.int32)]).reshape(_NW, _EPW_CH, _CHUNK)
    dst_p = jnp.concatenate(
        [edge_index[1], jnp.full((pad,), _N, jnp.int32)]).reshape(_NW, _EPW_CH, _CHUNK)
    zero_blk = jnp.zeros((_ROWS_PT, _H), jnp.float32)
    batch2 = batch.reshape(_N2, 2)
    fc2_Wp = jnp.pad(fc2_W, ((0, 0), (0, _G - _NOUT)))
    fc2_bp = jnp.concatenate(
        [fc2_b, jnp.full((_G - _NOUT,), -1e30, jnp.float32)])

    epss = jnp.stack([eps1, eps2, eps3]).reshape(3, 1, 1)

    def blkdiag(w):
        z = jnp.zeros((_H, _H), jnp.float32)
        return jnp.block([[w, z], [z, w]])

    def tile2(v):
        return jnp.concatenate([v, v])

    b1s = jnp.stack([tile2(nn1_b1), tile2(nn2_b1), tile2(nn3_b1)])
    w2s = jnp.stack([blkdiag(nn1_W2), blkdiag(nn2_W2), blkdiag(nn3_W2)])
    b2s = jnp.stack([tile2(nn1_b2), tile2(nn2_b2), tile2(nn3_b2)])
    gs = jnp.stack([tile2(bn1_g), tile2(bn2_g), tile2(bn3_g)])
    bbs = jnp.stack([tile2(bn1_b), tile2(bn2_b), tile2(bn3_b)])
    wns = jnp.stack([blkdiag(nn2_W1), blkdiag(nn3_W1), blkdiag(nn2_W1)])

    y1 = _tc0(x.reshape(_N2, 256), nn1_W1)

    def body(carry, params):
        y, _ = carry
        eps_i, b1_i, w2_i, b2_i, g_i, bb_i, wn_i = params
        p = _sc_agg(y.reshape(_NPAD, _H), src_p, dst_p, zero_blk)
        pp = p.reshape(_NC, _NP2, 2 * _H)
        y_next, hn = _tc_mid(y, pp, eps_i, b1_i, w2_i, b2_i, g_i, bb_i, wn_i)
        return (y_next, hn), None

    hn0 = jnp.zeros((_N2, 2 * _H), jnp.float32)
    (_, hn3), _ = lax.scan(body, (y1, hn0), (epss, b1s, w2s, b2s, gs, bbs, wns))
    out = _tc_fin(hn3, batch2, fc1_W, fc1_b, fc2_Wp, fc2_bp)
    return out[:, :_NOUT]

# --- scband reference (transcript-rebuilt; emitter-appended) ---
"""Pipeline reference for scband-gin-net-90288802496750 (READ-ONLY COPY).

The authoritative reference and input builder live on the scoring server;
editing this copy changes nothing except your own understanding.
"""

import jax, jax.numpy as jnp
import numpy as np

N = 10000
E = 320000
NINP = 128
H = 64
G = 128
NOUT = 10


def _lin_params(k, fan_in, fan_out):
    kw, kb = jax.random.split(k)
    W = jax.random.normal(kw, (fan_in, fan_out), dtype=jnp.float32) * (1.0 / np.sqrt(fan_in))
    b = jax.random.normal(kb, (fan_out,), dtype=jnp.float32) * 0.01
    return W, b


def setup_inputs(seed: int = 0) -> dict:
    key = jax.random.key(seed)
    ks = jax.random.split(key, 16)
    inp = {}
    inp['x'] = jax.random.normal(ks[0], (N, NINP), dtype=jnp.float32)
    inp['edge_index'] = jax.random.randint(ks[1], (2, E), 0, N, dtype=jnp.int32)
    inp['batch'] = jnp.sort(jax.random.randint(ks[2], (N,), 0, G, dtype=jnp.int32))
    # GINConv eps params (train_eps=True, init 0)
    inp['eps1'] = jnp.zeros((), dtype=jnp.float32)
    inp['eps2'] = jnp.zeros((), dtype=jnp.float32)
    inp['eps3'] = jnp.zeros((), dtype=jnp.float32)
    # nn1: Linear(NINP,64) -> ReLU -> Linear(64,64)
    inp['nn1_W1'], inp['nn1_b1'] = _lin_params(ks[3], NINP, H)
    inp['nn1_W2'], inp['nn1_b2'] = _lin_params(ks[4], H, H)
    # nn2 / nn3: Linear(64,64) -> ReLU -> Linear(64,64)
    inp['nn2_W1'], inp['nn2_b1'] = _lin_params(ks[5], H, H)
    inp['nn2_W2'], inp['nn2_b2'] = _lin_params(ks[6], H, H)
    inp['nn3_W1'], inp['nn3_b1'] = _lin_params(ks[7], H, H)
    inp['nn3_W2'], inp['nn3_b2'] = _lin_params(ks[8], H, H)
    # batchnorm affine params (original bn2 had a size bug: BatchNorm1d(128) on 64-dim input; corrected to 64)
    for i, kk in zip((1, 2, 3), (ks[9], ks[10], ks[11])):
        inp[f'bn{i}_g'] = jnp.ones((H,), dtype=jnp.float32)
        inp[f'bn{i}_b'] = jnp.zeros((H,), dtype=jnp.float32)
    inp['fc1_W'], inp['fc1_b'] = _lin_params(ks[12], H, 32)
    inp['fc2_W'], inp['fc2_b'] = _lin_params(ks[13], 32, NOUT)
    return inp


def _gin_conv(x, src, dst, eps, W1, b1, W2, b2):
    # aggregate neighbor messages (sum) then apply MLP to (1+eps)*x + agg
    msgs = x[src]
    agg = jax.ops.segment_sum(msgs, dst, num_segments=x.shape[0])
    h = (1.0 + eps) * x + agg
    h = jnp.maximum(h @ W1 + b1, 0.0)
    return h @ W2 + b2


def _batchnorm(h, g, b):
    mu = h.mean(axis=0)
    var = h.var(axis=0)
    return (h - mu) / jnp.sqrt(var + 1e-5) * g + b


def reference(x, edge_index, batch, eps1, eps2, eps3,
              nn1_W1, nn1_b1, nn1_W2, nn1_b2,
              nn2_W1, nn2_b1, nn2_W2, nn2_b2,
              nn3_W1, nn3_b1, nn3_W2, nn3_b2,
              bn1_g, bn1_b, bn2_g, bn2_b, bn3_g, bn3_b,
              fc1_W, fc1_b, fc2_W, fc2_b):
    src = edge_index[0]
    dst = edge_index[1]
    h = jnp.maximum(_gin_conv(x, src, dst, eps1, nn1_W1, nn1_b1, nn1_W2, nn1_b2), 0.0)
    h = _batchnorm(h, bn1_g, bn1_b)
    h = jnp.maximum(_gin_conv(h, src, dst, eps2, nn2_W1, nn2_b1, nn2_W2, nn2_b2), 0.0)
    h = _batchnorm(h, bn2_g, bn2_b)
    h = jnp.maximum(_gin_conv(h, src, dst, eps3, nn3_W1, nn3_b1, nn3_W2, nn3_b2), 0.0)
    h = _batchnorm(h, bn3_g, bn3_b)
    # global mean pool over graphs
    sums = jax.ops.segment_sum(h, batch, num_segments=G)
    counts = jax.ops.segment_sum(jnp.ones((h.shape[0],), dtype=h.dtype), batch, num_segments=G)
    pooled = sums / jnp.maximum(counts, 1.0)[:, None]
    h = jax.nn.elu(pooled @ fc1_W + fc1_b)
    logits = h @ fc2_W + fc2_b
    return jax.nn.log_softmax(logits, axis=1)

if __name__ == "__main__":
    import jax
    _d = setup_inputs()
    print(jax.jit(kernel)(*tuple(_d.values())))

</pallas_src>

<mosaic_0001>
#map = affine_map<(d0, d1) -> (0, 0)>
#map1 = affine_map<(d0, d1) -> (0, 0, 0)>
module attributes {stable_mosaic.version = 14 : i64} {
  func.func @_sc_agg_body(%arg0: i32, %arg1: i32, %arg2: memref<10240x64xf32, #tpu.memory_space<hbm>>, %arg3: memref<32x80x128xi32, #tpu.memory_space<hbm>>, %arg4: memref<32x80x128xi32, #tpu.memory_space<hbm>>, %arg5: memref<640x64xf32, #tpu.memory_space<hbm>>, %arg6: memref<2x10240x64xf32, #tpu.memory_space<hbm>>, %arg7: memref<80x128xi32, #tpu.memory_space<vmem>>, %arg8: memref<80x128xi32, #tpu.memory_space<vmem>>, %arg9: memref<2x128x64xf32, #tpu.memory_space<vmem>>, %arg10: memref<!tpu.dma_semaphore, #tpu.memory_space<semaphore_mem>>, %arg11: memref<!tpu.dma_semaphore, #tpu.memory_space<semaphore_mem>>, %arg12: memref<10240x64xf32, #tpu.memory_space<vmem_shared>>, %arg13: memref<10240x64xf32, #tpu.memory_space<vmem_shared>>) attributes {dimension_semantics = [#tpu.dimension_semantics<core_parallel>, #tpu.dimension_semantics<subcore_parallel>], iteration_bounds = array<i64: 2, 16>, scalar_prefetch = 0 : i64, scratch_operands = 7 : i64, tpu.core_type = #tpu.core_type<sc_vector_subcore>, window_params = [{transform_indices = #map}, {transform_indices = #map1}, {transform_indices = #map1}, {transform_indices = #map}, {transform_indices = #map1}]} {
    %mul3A = arith.constant 16 : i32
    %mul3A_0 = arith.muli %arg0, %mul3A : i32
    %add3A = arith.addi %mul3A_0, %arg1 : i32
    %mul3A_1 = arith.constant 640 : i32
    %mul3A_2 = arith.muli %arg1, %mul3A_1 : i32
    %mul3A_3 = arith.constant 640 : i32
    %mul3A_4 = arith.muli %arg1, %mul3A_3 : i32
    "tpu.region"() ({
      %run_scoped3A = tpu.sem_alloc : memref<!tpu.dma_semaphore, #tpu.memory_space<semaphore_mem>>
      %dma_start3A_29 = arith.constant 0 : i32
      %dma_start3A_30 = tpu.memref_slice %arg12[%mul3A_4, %dma_start3A_29] : memref<10240x64xf32, #tpu.memory_space<vmem_shared>> -> memref<640x64xf32, #tpu.memory_space<vmem_shared>>
      %dma_start3A_31 = arith.constant 0 : i32
      %dma_start3A_32 = tpu.memref_slice %arg2[%mul3A_2, %dma_start3A_31] : memref<10240x64xf32, #tpu.memory_space<hbm>> -> memref<640x64xf32, #tpu.memory_space<hbm>>
      tpu.enqueue_dma source(%dma_start3A_32 : memref<640x64xf32, #tpu.memory_space<hbm>>) target(%dma_start3A_30 : memref<640x64xf32, #tpu.memory_space<vmem_shared>>) target_semaphore(%run_scoped3A : memref<!tpu.dma_semaphore, #tpu.memory_space<semaphore_mem>>)
      %dma_wait3A = arith.constant 0 : i32
      %dma_wait3A_33 = tpu.memref_slice %arg12[%mul3A_4, %dma_wait3A] : memref<10240x64xf32, #tpu.memory_space<vmem_shared>> -> memref<640x64xf32, #tpu.memory_space<vmem_shared>>
      %dma_wait3A_34 = arith.constant 0 : i32
      %dma_wait3A_35 = tpu.memref_slice %arg2[%mul3A_2, %dma_wait3A_34] : memref<10240x64xf32, #tpu.memory_space<hbm>> -> memref<640x64xf32, #tpu.memory_space<hbm>>
      tpu.wait_dma2 semaphore(%run_scoped3A : memref<!tpu.dma_semaphore, #tpu.memory_space<semaphore_mem>>) src(%dma_wait3A_35 : memref<640x64xf32, #tpu.memory_space<hbm>>) dst(%dma_wait3A_33 : memref<640x64xf32, #tpu.memory_space<vmem_shared>>)
      tpu.yield
    }) : () -> ()
    %mul3A_5 = arith.constant 640 : i32
    %mul3A_6 = arith.muli %arg1, %mul3A_5 : i32
    "tpu.region"() ({
      %run_scoped3A = tpu.sem_alloc : memref<!tpu.dma_semaphore, #tpu.memory_space<semaphore_mem>>
      %dma_start3A_29 = arith.constant 0 : i32
      %dma_start3A_30 = tpu.memref_slice %arg13[%mul3A_6, %dma_start3A_29] : memref<10240x64xf32, #tpu.memory_space<vmem_shared>> -> memref<640x64xf32, #tpu.memory_space<vmem_shared>>
      tpu.enqueue_dma source(%arg5 : memref<640x64xf32, #tpu.memory_space<hbm>>) target(%dma_start3A_30 : memref<640x64xf32, #tpu.memory_space<vmem_shared>>) target_semaphore(%run_scoped3A : memref<!tpu.dma_semaphore, #tpu.memory_space<semaphore_mem>>)
      %dma_wait3A = arith.constant 0 : i32
      %dma_wait3A_31 = tpu.memref_slice %arg13[%mul3A_6, %dma_wait3A] : memref<10240x64xf32, #tpu.memory_space<vmem_shared>> -> memref<640x64xf32, #tpu.memory_space<vmem_shared>>
      tpu.wait_dma2 semaphore(%run_scoped3A : memref<!tpu.dma_semaphore, #tpu.memory_space<semaphore_mem>>) src(%arg5 : memref<640x64xf32, #tpu.memory_space<hbm>>) dst(%dma_wait3A_31 : memref<640x64xf32, #tpu.memory_space<vmem_shared>>)
      tpu.yield
    }) : () -> ()
    "tpu.region"() ({
      %run_scoped3A = tpu.sem_alloc : memref<!tpu.dma_semaphore, #tpu.memory_space<semaphore_mem>>
      %dma_start3A_29 = arith.constant 0 : i32
      %dma_start3A_30 = arith.constant 0 : i32
      %dma_start3A_31 = tpu.memref_slice %arg3[%add3A, %dma_start3A_29, %dma_start3A_30] : memref<32x80x128xi32, #tpu.memory_space<hbm>> -> memref<1x80x128xi32, #tpu.memory_space<hbm>>
      %dma_start3A_32 = tpu.memref_squeeze %dma_start3A_31 : memref<1x80x128xi32, #tpu.memory_space<hbm>> -> memref<80x128xi32, #tpu.memory_space<hbm>>
      %dma_start3A_33 = arith.constant 0 : i32
      %dma_start3A_34 = arith.constant 0 : i32
      %dma_start3A_35 = tpu.memref_slice %arg3[%add3A, %dma_start3A_33, %dma_start3A_34] : memref<32x80x128xi32, #tpu.memory_space<hbm>> -> memref<1x80x128xi32, #tpu.memory_space<hbm>>
      %dma_start3A_36 = tpu.memref_squeeze %dma_start3A_35 : memref<1x80x128xi32, #tpu.memory_space<hbm>> -> memref<80x128xi32, #tpu.memory_space<hbm>>
      tpu.enqueue_dma source(%dma_start3A_36 : memref<80x128xi32, #tpu.memory_space<hbm>>) target(%arg7 : memref<80x128xi32, #tpu.memory_space<vmem>>) target_semaphore(%run_scoped3A : memref<!tpu.dma_semaphore, #tpu.memory_space<semaphore_mem>>)
      %dma_wait3A = arith.constant 0 : i32
      %dma_wait3A_37 = arith.constant 0 : i32
      %dma_wait3A_38 = tpu.memref_slice %arg3[%add3A, %dma_wait3A, %dma_wait3A_37] : memref<32x80x128xi32, #tpu.memory_space<hbm>> -> memref<1x80x128xi32, #tpu.memory_space<hbm>>
      %dma_wait3A_39 = tpu.memref_squeeze %dma_wait3A_38 : memref<1x80x128xi32, #tpu.memory_space<hbm>> -> memref<80x128xi32, #tpu.memory_space<hbm>>
      %dma_wait3A_40 = arith.constant 0 : i32
      %dma_wait3A_41 = arith.constant 0 : i32
      %dma_wait3A_42 = tpu.memref_slice %arg3[%add3A, %dma_wait3A_40, %dma_wait3A_41] : memref<32x80x128xi32, #tpu.memory_space<hbm>> -> memref<1x80x128xi32, #tpu.memory_space<hbm>>
      %dma_wait3A_43 = tpu.memref_squeeze %dma_wait3A_42 : memref<1x80x128xi32, #tpu.memory_space<hbm>> -> memref<80x128xi32, #tpu.memory_space<hbm>>
      tpu.wait_dma2 semaphore(%run_scoped3A : memref<!tpu.dma_semaphore, #tpu.memory_space<semaphore_mem>>) src(%dma_wait3A_43 : memref<80x128xi32, #tpu.memory_space<hbm>>) dst(%arg7 : memref<80x128xi32, #tpu.memory_space<vmem>>)
      tpu.yield
    }) : () -> ()
    "tpu.region"() ({
      %run_scoped3A = tpu.sem_alloc : memref<!tpu.dma_semaphore, #tpu.memory_space<semaphore_mem>>
      %dma_start3A_29 = arith.constant 0 : i32
      %dma_start3A_30 = arith.constant 0 : i32
      %dma_start3A_31 = tpu.memref_slice %arg4[%add3A, %dma_start3A_29, %dma_start3A_30] : memref<32x80x128xi32, #tpu.memory_space<hbm>> -> memref<1x80x128xi32, #tpu.memory_space<hbm>>
      %dma_start3A_32 = tpu.memref_squeeze %dma_start3A_31 : memref<1x80x128xi32, #tpu.memory_space<hbm>> -> memref<80x128xi32, #tpu.memory_space<hbm>>
      %dma_start3A_33 = arith.constant 0 : i32
      %dma_start3A_34 = arith.constant 0 : i32
      %dma_start3A_35 = tpu.memref_slice %arg4[%add3A, %dma_start3A_33, %dma_start3A_34] : memref<32x80x128xi32, #tpu.memory_space<hbm>> -> memref<1x80x128xi32, #tpu.memory_space<hbm>>
      %dma_start3A_36 = tpu.memref_squeeze %dma_start3A_35 : memref<1x80x128xi32, #tpu.memory_space<hbm>> -> memref<80x128xi32, #tpu.memory_space<hbm>>
      tpu.enqueue_dma source(%dma_start3A_36 : memref<80x128xi32, #tpu.memory_space<hbm>>) target(%arg8 : memref<80x128xi32, #tpu.memory_space<vmem>>) target_semaphore(%run_scoped3A : memref<!tpu.dma_semaphore, #tpu.memory_space<semaphore_mem>>)
      %dma_wait3A = arith.constant 0 : i32
      %dma_wait3A_37 = arith.constant 0 : i32
      %dma_wait3A_38 = tpu.memref_slice %arg4[%add3A, %dma_wait3A, %dma_wait3A_37] : memref<32x80x128xi32, #tpu.memory_space<hbm>> -> memref<1x80x128xi32, #tpu.memory_space<hbm>>
      %dma_wait3A_39 = tpu.memref_squeeze %dma_wait3A_38 : memref<1x80x128xi32, #tpu.memory_space<hbm>> -> memref<80x128xi32, #tpu.memory_space<hbm>>
      %dma_wait3A_40 = arith.constant 0 : i32
      %dma_wait3A_41 = arith.constant 0 : i32
      %dma_wait3A_42 = tpu.memref_slice %arg4[%add3A, %dma_wait3A_40, %dma_wait3A_41] : memref<32x80x128xi32, #tpu.memory_space<hbm>> -> memref<1x80x128xi32, #tpu.memory_space<hbm>>
      %dma_wait3A_43 = tpu.memref_squeeze %dma_wait3A_42 : memref<1x80x128xi32, #tpu.memory_space<hbm>> -> memref<80x128xi32, #tpu.memory_space<hbm>>
      tpu.wait_dma2 semaphore(%run_scoped3A : memref<!tpu.dma_semaphore, #tpu.memory_space<semaphore_mem>>) src(%dma_wait3A_43 : memref<80x128xi32, #tpu.memory_space<hbm>>) dst(%arg8 : memref<80x128xi32, #tpu.memory_space<vmem>>)
      tpu.yield
    }) : () -> ()
    %barrier3A = arith.constant 0 : index
    tpu.barrier barrier_id(%barrier3A)
    %dma_start3A = arith.constant 0 : i32
    %dma_start3A_7 = arith.constant 0 : i32
    %dma_start3A_8 = arith.constant 0 : i32
    %dma_start3A_9 = arith.constant 0 : i32
    %dma_start3A_10 = tpu.memref_slice %arg9[%dma_start3A_7, %dma_start3A_8, %dma_start3A_9] : memref<2x128x64xf32, #tpu.memory_space<vmem>> -> memref<1x128x64xf32, #tpu.memory_space<vmem>>
    %dma_start3A_11 = tpu.memref_squeeze %dma_start3A_10 : memref<1x128x64xf32, #tpu.memory_space<vmem>> -> memref<128x64xf32, #tpu.memory_space<vmem>>
    %dma_start3A_12 = arith.constant 0 : i32
    %dma_start3A_13 = tpu.memref_slice %arg7[%dma_start3A, %dma_start3A_12] : memref<80x128xi32, #tpu.memory_space<vmem>> -> memref<1x128xi32, #tpu.memory_space<vmem>>
    %dma_start3A_14 = tpu.memref_squeeze %dma_start3A_13 : memref<1x128xi32, #tpu.memory_space<vmem>> -> memref<128xi32, #tpu.memory_space<vmem>>
    %dma_start3A_15 = arith.constant 0 : i32
    %dma_start3A_16 = arith.constant 0 : i32
    %dma_start3A_17 = tpu.memref_slice %arg12[%dma_start3A_15, %dma_start3A_16] : memref<10240x64xf32, #tpu.memory_space<vmem_shared>> -> memref<10240x64xf32, #tpu.memory_space<vmem_shared>>
    tpu.enqueue_indirect_dma source(%dma_start3A_17 : memref<10240x64xf32, #tpu.memory_space<vmem_shared>>) target(%dma_start3A_11 : memref<128x64xf32, #tpu.memory_space<vmem>>) offsets(%dma_start3A_14 : memref<128xi32, #tpu.memory_space<vmem>>) semaphore(%arg10 : memref<!tpu.dma_semaphore, #tpu.memory_space<semaphore_mem>>)
    %scan3A = arith.constant 0 : i32
    %scan3A_18 = arith.constant 0 : i32
    %scan3A_19 = arith.constant 80 : i32
    %scan3A_20 = arith.addi %scan3A_18, %scan3A_19 : i32
    %scan3A_21 = arith.constant 1 : i32
    %scan3A_22 = scf.for %scan3A_29 = %scan3A_18 to %scan3A_20 step %scan3A_21 iter_args(%scan3A_30 = %scan3A) -> (i32)  : i32 {
      %rem3A = arith.constant 2 : i32
      %rem3A_31 = arith.remsi %scan3A_29, %rem3A : i32
      %sub3A = arith.constant 1 : i32
      %sub3A_32 = arith.subi %sub3A, %rem3A_31 : i32
      %dma_wait3A = arith.constant 0 : i32
      %dma_wait3A_33 = arith.constant 0 : i32
      %dma_wait3A_34 = tpu.memref_slice %arg9[%rem3A_31, %dma_wait3A, %dma_wait3A_33] : memref<2x128x64xf32, #tpu.memory_space<vmem>> -> memref<1x128x64xf32, #tpu.memory_space<vmem>>
      %dma_wait3A_35 = tpu.memref_squeeze %dma_wait3A_34 : memref<1x128x64xf32, #tpu.memory_space<vmem>> -> memref<128x64xf32, #tpu.memory_space<vmem>>
      %dma_wait3A_36 = arith.constant 0 : i32
      %dma_wait3A_37 = tpu.memref_slice %arg7[%scan3A_29, %dma_wait3A_36] : memref<80x128xi32, #tpu.memory_space<vmem>> -> memref<1x128xi32, #tpu.memory_space<vmem>>
      %dma_wait3A_38 = tpu.memref_squeeze %dma_wait3A_37 : memref<1x128xi32, #tpu.memory_space<vmem>> -> memref<128xi32, #tpu.memory_space<vmem>>
      %dma_wait3A_39 = arith.constant 0 : i32
      %dma_wait3A_40 = arith.constant 0 : i32
      %dma_wait3A_41 = tpu.memref_slice %arg12[%dma_wait3A_39, %dma_wait3A_40] : memref<10240x64xf32, #tpu.memory_space<vmem_shared>> -> memref<10240x64xf32, #tpu.memory_space<vmem_shared>>
      tpu.wait_indirect_dma semaphore(%arg10 : memref<!tpu.dma_semaphore, #tpu.memory_space<semaphore_mem>>) src(%dma_wait3A_41 : memref<10240x64xf32, #tpu.memory_space<vmem_shared>>) dst(%dma_wait3A_35 : memref<128x64xf32, #tpu.memory_space<vmem>>)
      %lt3A = arith.constant 79 : i32
      %lt3A_42 = arith.cmpi slt, %scan3A_29, %lt3A : i32
      %convert_element_type3A = arith.extui %lt3A_42 : i1 to i32
      %cond3A = arith.constant 0 : i32
      %cond3A_43 = arith.cmpi ne, %convert_element_type3A, %cond3A : i32
      scf.if %cond3A_43 {
        %add3A_65 = arith.constant 1 : i32
        %add3A_66 = arith.addi %scan3A_29, %add3A_65 : i32
        %dma_start3A_67 = arith.constant 0 : i32
        %dma_start3A_68 = arith.constant 0 : i32
        %dma_start3A_69 = tpu.memref_slice %arg9[%sub3A_32, %dma_start3A_67, %dma_start3A_68] : memref<2x128x64xf32, #tpu.memory_space<vmem>> -> memref<1x128x64xf32, #tpu.memory_space<vmem>>
        %dma_start3A_70 = tpu.memref_squeeze %dma_start3A_69 : memref<1x128x64xf32, #tpu.memory_space<vmem>> -> memref<128x64xf32, #tpu.memory_space<vmem>>
        %dma_start3A_71 = arith.constant 0 : i32
        %dma_start3A_72 = tpu.memref_slice %arg7[%add3A_66, %dma_start3A_71] : memref<80x128xi32, #tpu.memory_space<vmem>> -> memref<1x128xi32, #tpu.memory_space<vmem>>
        %dma_start3A_73 = tpu.memref_squeeze %dma_start3A_72 : memref<1x128xi32, #tpu.memory_space<vmem>> -> memref<128xi32, #tpu.memory_space<vmem>>
        %dma_start3A_74 = arith.constant 0 : i32
        %dma_start3A_75 = arith.constant 0 : i32
        %dma_start3A_76 = tpu.memref_slice %arg12[%dma_start3A_74, %dma_start3A_75] : memref<10240x64xf32, #tpu.memory_space<vmem_shared>> -> memref<10240x64xf32, #tpu.memory_space<vmem_shared>>
        tpu.enqueue_indirect_dma source(%dma_start3A_76 : memref<10240x64xf32, #tpu.memory_space<vmem_shared>>) target(%dma_start3A_70 : memref<128x64xf32, #tpu.memory_space<vmem>>) offsets(%dma_start3A_73 : memref<128xi32, #tpu.memory_space<vmem>>) semaphore(%arg10 : memref<!tpu.dma_semaphore, #tpu.memory_space<semaphore_mem>>)
      } else {
      }
      %dma_start3A_44 = arith.constant 0 : i32
      %dma_start3A_45 = arith.constant 0 : i32
      %dma_start3A_46 = tpu.memref_slice %arg9[%rem3A_31, %dma_start3A_44, %dma_start3A_45] : memref<2x128x64xf32, #tpu.memory_space<vmem>> -> memref<1x128x64xf32, #tpu.memory_space<vmem>>
      %dma_start3A_47 = tpu.memref_squeeze %dma_start3A_46 : memref<1x128x64xf32, #tpu.memory_space<vmem>> -> memref<128x64xf32, #tpu.memory_space<vmem>>
      %dma_start3A_48 = arith.constant 0 : i32
      %dma_start3A_49 = tpu.memref_slice %arg8[%scan3A_29, %dma_start3A_48] : memref<80x128xi32, #tpu.memory_space<vmem>> -> memref<1x128xi32, #tpu.memory_space<vmem>>
      %dma_start3A_50 = tpu.memref_squeeze %dma_start3A_49 : memref<1x128xi32, #tpu.memory_space<vmem>> -> memref<128xi32, #tpu.memory_space<vmem>>
      %dma_start3A_51 = arith.constant 0 : i32
      %dma_start3A_52 = arith.constant 0 : i32
      %dma_start3A_53 = tpu.memref_slice %arg13[%dma_start3A_51, %dma_start3A_52] : memref<10240x64xf32, #tpu.memory_space<vmem_shared>> -> memref<10240x64xf32, #tpu.memory_space<vmem_shared>>
      tpu.enqueue_indirect_dma source(%dma_start3A_47 : memref<128x64xf32, #tpu.memory_space<vmem>>) target(%dma_start3A_53 : memref<10240x64xf32, #tpu.memory_space<vmem_shared>>) offsets(%dma_start3A_50 : memref<128xi32, #tpu.memory_space<vmem>>) semaphore(%arg11 : memref<!tpu.dma_semaphore, #tpu.memory_space<semaphore_mem>>) {add = true}
      %dma_wait3A_54 = arith.constant 0 : i32
      %dma_wait3A_55 = arith.constant 0 : i32
      %dma_wait3A_56 = tpu.memref_slice %arg9[%rem3A_31, %dma_wait3A_54, %dma_wait3A_55] : memref<2x128x64xf32, #tpu.memory_space<vmem>> -> memref<1x128x64xf32, #tpu.memory_space<vmem>>
      %dma_wait3A_57 = tpu.memref_squeeze %dma_wait3A_56 : memref<1x128x64xf32, #tpu.memory_space<vmem>> -> memref<128x64xf32, #tpu.memory_space<vmem>>
      %dma_wait3A_58 = arith.constant 0 : i32
      %dma_wait3A_59 = tpu.memref_slice %arg8[%scan3A_29, %dma_wait3A_58] : memref<80x128xi32, #tpu.memory_space<vmem>> -> memref<1x128xi32, #tpu.memory_space<vmem>>
      %dma_wait3A_60 = tpu.memref_squeeze %dma_wait3A_59 : memref<1x128xi32, #tpu.memory_space<vmem>> -> memref<128xi32, #tpu.memory_space<vmem>>
      %dma_wait3A_61 = arith.constant 0 : i32
      %dma_wait3A_62 = arith.constant 0 : i32
      %dma_wait3A_63 = tpu.memref_slice %arg13[%dma_wait3A_61, %dma_wait3A_62] : memref<10240x64xf32, #tpu.memory_space<vmem_shared>> -> memref<10240x64xf32, #tpu.memory_space<vmem_shared>>
      tpu.wait_indirect_dma semaphore(%arg11 : memref<!tpu.dma_semaphore, #tpu.memory_space<semaphore_mem>>) src(%dma_wait3A_57 : memref<128x64xf32, #tpu.memory_space<vmem>>) dst(%dma_wait3A_63 : memref<10240x64xf32, #tpu.memory_space<vmem_shared>>)
      %scan3A_64 = arith.constant 0 : i32
      scf.yield %scan3A_64 : i32
    }
    %scan3A_23 = arith.constant 80 : i32
    %barrier3A_24 = arith.constant 0 : index
    tpu.barrier barrier_id(%barrier3A_24)
    %mul3A_25 = arith.constant 640 : i32
    %mul3A_26 = arith.muli %arg1, %mul3A_25 : i32
    %mul3A_27 = arith.constant 640 : i32
    %mul3A_28 = arith.muli %arg1, %mul3A_27 : i32
    "tpu.region"() ({
      %run_scoped3A = tpu.sem_alloc : memref<!tpu.dma_semaphore, #tpu.memory_space<semaphore_mem>>
      %dma_start3A_29 = arith.constant 0 : i32
      %dma_start3A_30 = tpu.memref_slice %arg6[%arg0, %mul3A_28, %dma_start3A_29] : memref<2x10240x64xf32, #tpu.memory_space<hbm>> -> memref<1x640x64xf32, #tpu.memory_space<hbm>>
      %dma_start3A_31 = tpu.memref_squeeze %dma_start3A_30 : memref<1x640x64xf32, #tpu.memory_space<hbm>> -> memref<640x64xf32, #tpu.memory_space<hbm>>
      %dma_start3A_32 = arith.constant 0 : i32
      %dma_start3A_33 = tpu.memref_slice %arg13[%mul3A_26, %dma_start3A_32] : memref<10240x64xf32, #tpu.memory_space<vmem_shared>> -> memref<640x64xf32, #tpu.memory_space<vmem_shared>>
      tpu.enqueue_dma source(%dma_start3A_33 : memref<640x64xf32, #tpu.memory_space<vmem_shared>>) target(%dma_start3A_31 : memref<640x64xf32, #tpu.memory_space<hbm>>) target_semaphore(%run_scoped3A : memref<!tpu.dma_semaphore, #tpu.memory_space<semaphore_mem>>)
      %dma_wait3A = arith.constant 0 : i32
      %dma_wait3A_34 = tpu.memref_slice %arg6[%arg0, %mul3A_28, %dma_wait3A] : memref<2x10240x64xf32, #tpu.memory_space<hbm>> -> memref<1x640x64xf32, #tpu.memory_space<hbm>>
      %dma_wait3A_35 = tpu.memref_squeeze %dma_wait3A_34 : memref<1x640x64xf32, #tpu.memory_space<hbm>> -> memref<640x64xf32, #tpu.memory_space<hbm>>
      %dma_wait3A_36 = arith.constant 0 : i32
      %dma_wait3A_37 = tpu.memref_slice %arg13[%mul3A_26, %dma_wait3A_36] : memref<10240x64xf32, #tpu.memory_space<vmem_shared>> -> memref<640x64xf32, #tpu.memory_space<vmem_shared>>
      tpu.wait_dma2 semaphore(%run_scoped3A : memref<!tpu.dma_semaphore, #tpu.memory_space<semaphore_mem>>) src(%dma_wait3A_37 : memref<640x64xf32, #tpu.memory_space<vmem_shared>>) dst(%dma_wait3A_35 : memref<640x64xf32, #tpu.memory_space<hbm>>)
      tpu.yield
    }) : () -> ()
    return
  }
}

module attributes {stable_mosaic.version = 14 : i64} {
  func.func @_tc0_body(%arg0: memref<5000x256xf32, #tpu.memory_space<vmem>>, %arg1: memref<128x64xf32, #tpu.memory_space<vmem>>, %arg2: memref<5120x128xf32, #tpu.memory_space<vmem>>) attributes {dimension_semantics = [], scalar_prefetch = 0 : i64, scratch_operands = 0 : i64, tpu.core_type = #tpu.core_type<tc>} {
    %get3A = arith.constant 0 : index
    %get3A_0 = arith.constant 0 : index
    %get3A_1 = vector.load %arg0[%get3A, %get3A_0] : memref<5000x256xf32, #tpu.memory_space<vmem>>, vector<5000x256xf32>
    %get3A_2 = arith.constant 0 : index
    %get3A_3 = arith.constant 0 : index
    %get3A_4 = vector.load %arg1[%get3A_2, %get3A_3] : memref<128x64xf32, #tpu.memory_space<vmem>>, vector<128x64xf32>
    %slice3A = vector.extract_strided_slice %get3A_1 {offsets = [0, 0], sizes = [5000, 128], strides = [1, 1]} : vector<5000x256xf32> to vector<5000x128xf32>
    %dot_general3A = arith.constant dense<0.000000e+00> : vector<5000x64xf32>
    %dot_general3A_5 = tpu.matmul %slice3A, %get3A_4, %dot_general3A {dimension_numbers = #tpu.dot_dimension_numbers<[1], [0], [0], [1], [0, 0, 1, 1], [], []>, precision = #tpu.contract_precision<fp32>, transpose_lhs_hint = false} : vector<5000x128xf32>, vector<128x64xf32>, vector<5000x64xf32> -> vector<5000x64xf32>
    %slice3A_6 = vector.extract_strided_slice %get3A_1 {offsets = [0, 128], sizes = [5000, 128], strides = [1, 1]} : vector<5000x256xf32> to vector<5000x128xf32>
    %dot_general3A_7 = arith.constant dense<0.000000e+00> : vector<5000x64xf32>
    %dot_general3A_8 = tpu.matmul %slice3A_6, %get3A_4, %dot_general3A_7 {dimension_numbers = #tpu.dot_dimension_numbers<[1], [0], [0], [1], [0, 0, 1, 1], [], []>, precision = #tpu.contract_precision<fp32>, transpose_lhs_hint = false} : vector<5000x128xf32>, vector<128x64xf32>, vector<5000x64xf32> -> vector<5000x64xf32>
    %concatenate3A = tpu.concatenate %dot_general3A_5, %dot_general3A_8 in 1 : vector<5000x64xf32>, vector<5000x64xf32> -> vector<5000x128xf32>
    %swap3A = arith.constant 0 : index
    %swap3A_9 = arith.constant 0 : index
    %swap3A_10 = vector.load %arg2[%swap3A, %swap3A_9] : memref<5120x128xf32, #tpu.memory_space<vmem>>, vector<5000x128xf32>
    tpu.vector_store %arg2[%swap3A, %swap3A_9], %concatenate3A {strides = array<i32>} : memref<5120x128xf32, #tpu.memory_space<vmem>>, vector<5000x128xf32>,
    %broadcast_in_dim3A = arith.constant 0.000000e+00 : f32
    %broadcast_in_dim3A_11 = vector.broadcast %broadcast_in_dim3A : f32 to vector<120x128xf32>
    %swap3A_12 = arith.constant 5000 : index
    %swap3A_13 = arith.constant 0 : index
    %swap3A_14 = vector.load %arg2[%swap3A_12, %swap3A_13] : memref<5120x128xf32, #tpu.memory_space<vmem>>, vector<120x128xf32>
    tpu.vector_store %arg2[%swap3A_12, %swap3A_13], %broadcast_in_dim3A_11 {strides = array<i32>} : memref<5120x128xf32, #tpu.memory_space<vmem>>, vector<120x128xf32>,
    return
  }
}

module attributes {stable_mosaic.version = 14 : i64} {
  func.func @_tc_mid_body(%arg0: memref<5120x128xf32, #tpu.memory_space<vmem>>, %arg1: memref<2x5120x128xf32, #tpu.memory_space<vmem>>, %arg2: memref<1x1xf32, #tpu.memory_space<vmem>>, %arg3: memref<128xf32, #tpu.memory_space<vmem>>, %arg4: memref<128x128xf32, #tpu.memory_space<vmem>>, %arg5: memref<128xf32, #tpu.memory_space<vmem>>, %arg6: memref<128xf32, #tpu.memory_space<vmem>>, %arg7: memref<128xf32, #tpu.memory_space<vmem>>, %arg8: memref<128x128xf32, #tpu.memory_space<vmem>>, %arg9: memref<5120x128xf32, #tpu.memory_space<vmem>>, %arg10: memref<5000x128xf32, #tpu.memory_space<vmem>>) attributes {dimension_semantics = [], scalar_prefetch = 0 : i64, scratch_operands = 0 : i64, tpu.core_type = #tpu.core_type<tc>} {
    %get3A = arith.constant 0 : index
    %get3A_0 = arith.constant 0 : index
    %get3A_1 = vector.load %arg0[%get3A, %get3A_0] : memref<5120x128xf32, #tpu.memory_space<vmem>>, vector<5000x128xf32>
    %get3A_2 = arith.constant 0 : index
    %get3A_3 = arith.constant 0 : index
    %get3A_4 = arith.constant 0 : index
    %get3A_5 = vector.load %arg1[%get3A_2, %get3A_3, %get3A_4] : memref<2x5120x128xf32, #tpu.memory_space<vmem>>, vector<1x5000x128xf32>
    %get3A_6 = vector.shape_cast %get3A_5 : vector<1x5000x128xf32> to vector<5000x128xf32>
    %get3A_7 = arith.constant 1 : index
    %get3A_8 = arith.constant 0 : index
    %get3A_9 = arith.constant 0 : index
    %get3A_10 = vector.load %arg1[%get3A_7, %get3A_8, %get3A_9] : memref<2x5120x128xf32, #tpu.memory_space<vmem>>, vector<1x5000x128xf32>
    %get3A_11 = vector.shape_cast %get3A_10 : vector<1x5000x128xf32> to vector<5000x128xf32>
    %add3A = arith.addf %get3A_6, %get3A_11 : vector<5000x128xf32>
    %get3A_12 = arith.constant 0 : index
    %get3A_13 = arith.constant 0 : index
    %get3A_14 = vector.load %arg2[%get3A_12, %get3A_13] : memref<1x1xf32, #tpu.memory_space<vmem>>, vector<1x1xf32>
    %get3A_15 = vector.extract %get3A_14[0, 0] : f32 from vector<1x1xf32>
    %add3A_16 = arith.constant 1.000000e+00 : f32
    %add3A_17 = arith.addf %add3A_16, %get3A_15 : f32
    %mul3A = vector.broadcast %add3A_17 : f32 to vector<5000x128xf32>
    %mul3A_18 = arith.mulf %mul3A, %get3A_1 : vector<5000x128xf32>
    %add3A_19 = arith.addf %mul3A_18, %add3A : vector<5000x128xf32>
    %get3A_20 = arith.constant 0 : index
    %get3A_21 = vector.load %arg3[%get3A_20] : memref<128xf32, #tpu.memory_space<vmem>>, vector<128xf32>
    %broadcast_in_dim3A = vector.shape_cast %get3A_21 : vector<128xf32> to vector<1x128xf32>
    %add3A_22 = vector.broadcast %broadcast_in_dim3A : vector<1x128xf32> to vector<5000x128xf32>
    %add3A_23 = arith.addf %add3A_19, %add3A_22 : vector<5000x128xf32>
    %max3A = arith.constant 0.000000e+00 : f32
    %max3A_24 = vector.broadcast %max3A : f32 to vector<5000x128xf32>
    %max3A_25 = arith.maximumf %add3A_23, %max3A_24 : vector<5000x128xf32>
    %get3A_26 = arith.constant 0 : index
    %get3A_27 = arith.constant 0 : index
    %get3A_28 = vector.load %arg4[%get3A_26, %get3A_27] : memref<128x128xf32, #tpu.memory_space<vmem>>, vector<128x128xf32>
    %dot_general3A = arith.constant dense<0.000000e+00> : vector<5000x128xf32>
    %dot_general3A_29 = tpu.matmul %max3A_25, %get3A_28, %dot_general3A {dimension_numbers = #tpu.dot_dimension_numbers<[1], [0], [0], [1], [0, 0, 1, 1], [], []>, precision = #tpu.contract_precision<fp32>, transpose_lhs_hint = false} : vector<5000x128xf32>, vector<128x128xf32>, vector<5000x128xf32> -> vector<5000x128xf32>
    %get3A_30 = arith.constant 0 : index
    %get3A_31 = vector.load %arg5[%get3A_30] : memref<128xf32, #tpu.memory_space<vmem>>, vector<128xf32>
    %broadcast_in_dim3A_32 = vector.shape_cast %get3A_31 : vector<128xf32> to vector<1x128xf32>
    %add3A_33 = vector.broadcast %broadcast_in_dim3A_32 : vector<1x128xf32> to vector<5000x128xf32>
    %add3A_34 = arith.addf %dot_general3A_29, %add3A_33 : vector<5000x128xf32>
    %max3A_35 = arith.constant 0.000000e+00 : f32
    %max3A_36 = vector.broadcast %max3A_35 : f32 to vector<5000x128xf32>
    %max3A_37 = arith.maximumf %add3A_34, %max3A_36 : vector<5000x128xf32>
    %reduce_sum3A = arith.constant dense<0.000000e+00> : vector<128xf32>
    %reduce_sum3A_38 = vector.multi_reduction <add>, %max3A_37, %reduce_sum3A [0] : vector<5000x128xf32> to vector<128xf32>
    %slice3A = vector.extract_strided_slice %reduce_sum3A_38 {offsets = [0], sizes = [64], strides = [1]} : vector<128xf32> to vector<64xf32>
    %slice3A_39 = vector.extract_strided_slice %reduce_sum3A_38 {offsets = [64], sizes = [64], strides = [1]} : vector<128xf32> to vector<64xf32>
    %add3A_40 = arith.addf %slice3A, %slice3A_39 : vector<64xf32>
    %div3A = arith.constant 1.000000e+04 : f32
    %div3A_41 = vector.broadcast %div3A : f32 to vector<64xf32>
    %div3A_42 = arith.divf %add3A_40, %div3A_41 : vector<64xf32>
    %concatenate3A = tpu.concatenate %div3A_42, %div3A_42 in 0 : vector<64xf32>, vector<64xf32> -> vector<128xf32>
    %broadcast_in_dim3A_43 = vector.shape_cast %concatenate3A : vector<128xf32> to vector<1x128xf32>
    %sub3A = vector.broadcast %broadcast_in_dim3A_43 : vector<1x128xf32> to vector<5000x128xf32>
    %sub3A_44 = arith.subf %max3A_37, %sub3A : vector<5000x128xf32>
    %mul3A_45 = arith.mulf %sub3A_44, %sub3A_44 : vector<5000x128xf32>
    %reduce_sum3A_46 = arith.constant dense<0.000000e+00> : vector<128xf32>
    %reduce_sum3A_47 = vector.multi_reduction <add>, %mul3A_45, %reduce_sum3A_46 [0] : vector<5000x128xf32> to vector<128xf32>
    %slice3A_48 = vector.extract_strided_slice %reduce_sum3A_47 {offsets = [0], sizes = [64], strides = [1]} : vector<128xf32> to vector<64xf32>
    %slice3A_49 = vector.extract_strided_slice %reduce_sum3A_47 {offsets = [64], sizes = [64], strides = [1]} : vector<128xf32> to vector<64xf32>
    %add3A_50 = arith.addf %slice3A_48, %slice3A_49 : vector<64xf32>
    %div3A_51 = arith.constant 1.000000e+04 : f32
    %div3A_52 = vector.broadcast %div3A_51 : f32 to vector<64xf32>
    %div3A_53 = arith.divf %add3A_50, %div3A_52 : vector<64xf32>
    %concatenate3A_54 = tpu.concatenate %div3A_53, %div3A_53 in 0 : vector<64xf32>, vector<64xf32> -> vector<128xf32>
    %add3A_55 = arith.constant 9.99999974E-6 : f32
    %add3A_56 = vector.broadcast %add3A_55 : f32 to vector<128xf32>
    %add3A_57 = arith.addf %concatenate3A_54, %add3A_56 : vector<128xf32>
    %rsqrt3A = math.rsqrt %add3A_57 : vector<128xf32>
    %broadcast_in_dim3A_58 = vector.shape_cast %rsqrt3A : vector<128xf32> to vector<1x128xf32>
    %mul3A_59 = vector.broadcast %broadcast_in_dim3A_58 : vector<1x128xf32> to vector<5000x128xf32>
    %mul3A_60 = arith.mulf %sub3A_44, %mul3A_59 : vector<5000x128xf32>
    %get3A_61 = arith.constant 0 : index
    %get3A_62 = vector.load %arg6[%get3A_61] : memref<128xf32, #tpu.memory_space<vmem>>, vector<128xf32>
    %broadcast_in_dim3A_63 = vector.shape_cast %get3A_62 : vector<128xf32> to vector<1x128xf32>
    %mul3A_64 = vector.broadcast %broadcast_in_dim3A_63 : vector<1x128xf32> to vector<5000x128xf32>
    %mul3A_65 = arith.mulf %mul3A_60, %mul3A_64 : vector<5000x128xf32>
    %get3A_66 = arith.constant 0 : index
    %get3A_67 = vector.load %arg7[%get3A_66] : memref<128xf32, #tpu.memory_space<vmem>>, vector<128xf32>
    %broadcast_in_dim3A_68 = vector.shape_cast %get3A_67 : vector<128xf32> to vector<1x128xf32>
    %add3A_69 = vector.broadcast %broadcast_in_dim3A_68 : vector<1x128xf32> to vector<5000x128xf32>
    %add3A_70 = arith.addf %mul3A_65, %add3A_69 : vector<5000x128xf32>
    %swap3A = arith.constant 0 : index
    %swap3A_71 = arith.constant 0 : index
    %swap3A_72 = vector.load %arg10[%swap3A, %swap3A_71] : memref<5000x128xf32, #tpu.memory_space<vmem>>, vector<5000x128xf32>
    tpu.vector_store %arg10[%swap3A, %swap3A_71], %add3A_70 {strides = array<i32>} : memref<5000x128xf32, #tpu.memory_space<vmem>>, vector<5000x128xf32>,
    %get3A_73 = arith.constant 0 : index
    %get3A_74 = arith.constant 0 : index
    %get3A_75 = vector.load %arg8[%get3A_73, %get3A_74] : memref<128x128xf32, #tpu.memory_space<vmem>>, vector<128x128xf32>
    %dot_general3A_76 = arith.constant dense<0.000000e+00> : vector<5000x128xf32>
    %dot_general3A_77 = tpu.matmul %add3A_70, %get3A_75, %dot_general3A_76 {dimension_numbers = #tpu.dot_dimension_numbers<[1], [0], [0], [1], [0, 0, 1, 1], [], []>, precision = #tpu.contract_precision<fp32>, transpose_lhs_hint = false} : vector<5000x128xf32>, vector<128x128xf32>, vector<5000x128xf32> -> vector<5000x128xf32>
    %swap3A_78 = arith.constant 0 : index
    %swap3A_79 = arith.constant 0 : index
    %swap3A_80 = vector.load %arg9[%swap3A_78, %swap3A_79] : memref<5120x128xf32, #tpu.memory_space<vmem>>, vector<5000x128xf32>
    tpu.vector_store %arg9[%swap3A_78, %swap3A_79], %dot_general3A_77 {strides = array<i32>} : memref<5120x128xf32, #tpu.memory_space<vmem>>, vector<5000x128xf32>,
    %broadcast_in_dim3A_81 = arith.constant 0.000000e+00 : f32
    %broadcast_in_dim3A_82 = vector.broadcast %broadcast_in_dim3A_81 : f32 to vector<120x128xf32>
    %swap3A_83 = arith.constant 5000 : index
    %swap3A_84 = arith.constant 0 : index
    %swap3A_85 = vector.load %arg9[%swap3A_83, %swap3A_84] : memref<5120x128xf32, #tpu.memory_space<vmem>>, vector<120x128xf32>
    tpu.vector_store %arg9[%swap3A_83, %swap3A_84], %broadcast_in_dim3A_82 {strides = array<i32>} : memref<5120x128xf32, #tpu.memory_space<vmem>>, vector<120x128xf32>,
    return
  }
}

module attributes {stable_mosaic.version = 14 : i64} {
  func.func @_tc_fin_body(%arg0: memref<5000x128xf32, #tpu.memory_space<vmem>>, %arg1: memref<5000x2xi32, #tpu.memory_space<vmem>>, %arg2: memref<64x32xf32, #tpu.memory_space<vmem>>, %arg3: memref<32xf32, #tpu.memory_space<vmem>>, %arg4: memref<32x128xf32, #tpu.memory_space<vmem>>, %arg5: memref<128xf32, #tpu.memory_space<vmem>>, %arg6: memref<128x128xf32, #tpu.memory_space<vmem>>) attributes {dimension_semantics = [], scalar_prefetch = 0 : i64, scratch_operands = 0 : i64, tpu.core_type = #tpu.core_type<tc>} {
    %get3A = arith.constant 0 : index
    %get3A_0 = arith.constant 0 : index
    %get3A_1 = vector.load %arg0[%get3A, %get3A_0] : memref<5000x128xf32, #tpu.memory_space<vmem>>, vector<5000x128xf32>
    %get3A_2 = arith.constant 0 : index
    %get3A_3 = arith.constant 0 : index
    %get3A_4 = vector.load %arg1[%get3A_2, %get3A_3] : memref<5000x2xi32, #tpu.memory_space<vmem>>, vector<5000x1xi32>
    %iota3A = tpu.iota {dimensions = array<i32: 1>} : vector<5000x128xi32>
    %eq3A = vector.broadcast %get3A_4 : vector<5000x1xi32> to vector<5000x128xi32>
    %eq3A_5 = arith.cmpi eq, %eq3A, %iota3A : vector<5000x128xi32>
    %convert_element_type3A = arith.extui %eq3A_5 : vector<5000x128xi1> to vector<5000x128xi32>
    %convert_element_type3A_6 = arith.sitofp %convert_element_type3A : vector<5000x128xi32> to vector<5000x128xf32>
    %get3A_7 = arith.constant 0 : index
    %get3A_8 = arith.constant 1 : index
    %get3A_9 = vector.load %arg1[%get3A_7, %get3A_8] : memref<5000x2xi32, #tpu.memory_space<vmem>>, vector<5000x1xi32>
    %iota3A_10 = tpu.iota {dimensions = array<i32: 1>} : vector<5000x128xi32>
    %eq3A_11 = vector.broadcast %get3A_9 : vector<5000x1xi32> to vector<5000x128xi32>
    %eq3A_12 = arith.cmpi eq, %eq3A_11, %iota3A_10 : vector<5000x128xi32>
    %convert_element_type3A_13 = arith.extui %eq3A_12 : vector<5000x128xi1> to vector<5000x128xi32>
    %convert_element_type3A_14 = arith.sitofp %convert_element_type3A_13 : vector<5000x128xi32> to vector<5000x128xf32>
    %slice3A = vector.extract_strided_slice %get3A_1 {offsets = [0, 0], sizes = [5000, 64], strides = [1, 1]} : vector<5000x128xf32> to vector<5000x64xf32>
    %dot_general3A = arith.constant dense<0.000000e+00> : vector<128x64xf32>
    %dot_general3A_15 = tpu.matmul %convert_element_type3A_6, %slice3A, %dot_general3A {dimension_numbers = #tpu.dot_dimension_numbers<[0], [0], [1], [1], [0, 1, 1, 1], [], []>, precision = #tpu.contract_precision<fp32>, transpose_lhs_hint = false} : vector<5000x128xf32>, vector<5000x64xf32>, vector<128x64xf32> -> vector<128x64xf32>
    %slice3A_16 = vector.extract_strided_slice %get3A_1 {offsets = [0, 64], sizes = [5000, 64], strides = [1, 1]} : vector<5000x128xf32> to vector<5000x64xf32>
    %dot_general3A_17 = arith.constant dense<0.000000e+00> : vector<128x64xf32>
    %dot_general3A_18 = tpu.matmul %convert_element_type3A_14, %slice3A_16, %dot_general3A_17 {dimension_numbers = #tpu.dot_dimension_numbers<[0], [0], [1], [1], [0, 1, 1, 1], [], []>, precision = #tpu.contract_precision<fp32>, transpose_lhs_hint = false} : vector<5000x128xf32>, vector<5000x64xf32>, vector<128x64xf32> -> vector<128x64xf32>
    %add3A = arith.addf %dot_general3A_15, %dot_general3A_18 : vector<128x64xf32>
    %reduce_sum3A = arith.constant dense<0.000000e+00> : vector<128xf32>
    %reduce_sum3A_19 = vector.multi_reduction <add>, %convert_element_type3A_6, %reduce_sum3A [0] : vector<5000x128xf32> to vector<128xf32>
    %reduce_sum3A_20 = arith.constant dense<0.000000e+00> : vector<128xf32>
    %reduce_sum3A_21 = vector.multi_reduction <add>, %convert_element_type3A_14, %reduce_sum3A_20 [0] : vector<5000x128xf32> to vector<128xf32>
    %add3A_22 = arith.addf %reduce_sum3A_19, %reduce_sum3A_21 : vector<128xf32>
    %max3A = arith.constant 1.000000e+00 : f32
    %max3A_23 = vector.broadcast %max3A : f32 to vector<128xf32>
    %max3A_24 = arith.maximumf %add3A_22, %max3A_23 : vector<128xf32>
    %broadcast_in_dim3A = vector.shape_cast %max3A_24 : vector<128xf32> to vector<128x1xf32>
    %div3A = vector.broadcast %broadcast_in_dim3A : vector<128x1xf32> to vector<128x64xf32>
    %div3A_25 = arith.divf %add3A, %div3A : vector<128x64xf32>
    %get3A_26 = arith.constant 0 : index
    %get3A_27 = arith.constant 0 : index
    %get3A_28 = vector.load %arg2[%get3A_26, %get3A_27] : memref<64x32xf32, #tpu.memory_space<vmem>>, vector<64x32xf32>
    %dot_general3A_29 = arith.constant dense<0.000000e+00> : vector<128x32xf32>
    %dot_general3A_30 = tpu.matmul %div3A_25, %get3A_28, %dot_general3A_29 {dimension_numbers = #tpu.dot_dimension_numbers<[1], [0], [0], [1], [0, 0, 1, 1], [], []>, precision = #tpu.contract_precision<fp32>, transpose_lhs_hint = false} : vector<128x64xf32>, vector<64x32xf32>, vector<128x32xf32> -> vector<128x32xf32>
    %get3A_31 = arith.constant 0 : index
    %get3A_32 = vector.load %arg3[%get3A_31] : memref<32xf32, #tpu.memory_space<vmem>>, vector<32xf32>
    %broadcast_in_dim3A_33 = vector.shape_cast %get3A_32 : vector<32xf32> to vector<1x32xf32>
    %add3A_34 = vector.broadcast %broadcast_in_dim3A_33 : vector<1x32xf32> to vector<128x32xf32>
    %add3A_35 = arith.addf %dot_general3A_30, %add3A_34 : vector<128x32xf32>
    %gt3A = arith.constant 0.000000e+00 : f32
    %gt3A_36 = vector.broadcast %gt3A : f32 to vector<128x32xf32>
    %gt3A_37 = arith.cmpf ogt, %add3A_35, %gt3A_36 : vector<128x32xf32>
    %exp3A = math.exp %add3A_35 : vector<128x32xf32>
    %sub3A = arith.constant 1.000000e+00 : f32
    %sub3A_38 = vector.broadcast %sub3A : f32 to vector<128x32xf32>
    %sub3A_39 = arith.subf %exp3A, %sub3A_38 : vector<128x32xf32>
    %select_n3A = arith.select %gt3A_37, %add3A_35, %sub3A_39 : vector<128x32xi1>, vector<128x32xf32>
    %get3A_40 = arith.constant 0 : index
    %get3A_41 = arith.constant 0 : index
    %get3A_42 = vector.load %arg4[%get3A_40, %get3A_41] : memref<32x128xf32, #tpu.memory_space<vmem>>, vector<32x128xf32>
    %dot_general3A_43 = arith.constant dense<0.000000e+00> : vector<128x128xf32>
    %dot_general3A_44 = tpu.matmul %select_n3A, %get3A_42, %dot_general3A_43 {dimension_numbers = #tpu.dot_dimension_numbers<[1], [0], [0], [1], [0, 0, 1, 1], [], []>, precision = #tpu.contract_precision<fp32>, transpose_lhs_hint = false} : vector<128x32xf32>, vector<32x128xf32>, vector<128x128xf32> -> vector<128x128xf32>
    %get3A_45 = arith.constant 0 : index
    %get3A_46 = vector.load %arg5[%get3A_45] : memref<128xf32, #tpu.memory_space<vmem>>, vector<128xf32>
    %broadcast_in_dim3A_47 = vector.shape_cast %get3A_46 : vector<128xf32> to vector<1x128xf32>
    %add3A_48 = vector.broadcast %broadcast_in_dim3A_47 : vector<1x128xf32> to vector<128x128xf32>
    %add3A_49 = arith.addf %dot_general3A_44, %add3A_48 : vector<128x128xf32>
    %reduce_max3A = arith.constant dense<0xFF800000> : vector<128xf32>
    %reduce_max3A_50 = vector.multi_reduction <maximumf>, %add3A_49, %reduce_max3A [1] : vector<128x128xf32> to vector<128xf32>
    %broadcast_in_dim3A_51 = vector.shape_cast %reduce_max3A_50 : vector<128xf32> to vector<128x1xf32>
    %sub3A_52 = vector.broadcast %broadcast_in_dim3A_51 : vector<128x1xf32> to vector<128x128xf32>
    %sub3A_53 = arith.subf %add3A_49, %sub3A_52 : vector<128x128xf32>
    %exp3A_54 = math.exp %sub3A_53 : vector<128x128xf32>
    %reduce_sum3A_55 = arith.constant dense<0.000000e+00> : vector<128xf32>
    %reduce_sum3A_56 = vector.multi_reduction <add>, %exp3A_54, %reduce_sum3A_55 [1] : vector<128x128xf32> to vector<128xf32>
    %broadcast_in_dim3A_57 = vector.shape_cast %reduce_sum3A_56 : vector<128xf32> to vector<128x1xf32>
    %log3A = math.log %broadcast_in_dim3A_57 : vector<128x1xf32>
    %add3A_58 = arith.addf %log3A, %broadcast_in_dim3A_51 : vector<128x1xf32>
    %sub3A_59 = vector.broadcast %add3A_58 : vector<128x1xf32> to vector<128x128xf32>
    %sub3A_60 = arith.subf %add3A_49, %sub3A_59 : vector<128x128xf32>
    %swap3A = arith.constant 0 : index
    %swap3A_61 = arith.constant 0 : index
    %swap3A_62 = vector.load %arg6[%swap3A, %swap3A_61] : memref<128x128xf32, #tpu.memory_space<vmem>>, vector<128x128xf32>
    tpu.vector_store %arg6[%swap3A, %swap3A_61], %sub3A_60 {strides = array<i32>} : memref<128x128xf32, #tpu.memory_space<vmem>>, vector<128x128xf32>,
    return
  }
}

</mosaic_0001>

<sc_bundles>
// kernel: closed_call.13.cloned.1.call-start
scs
__scs_entry_jumppad:
0x0: {  	(pc) =	sbr.rel $0x88, $3  }
0x1: {  	(tag) =	ssettag $0x0;
	lr =	simm.s32 $0x1  }
0x2: {  	[smem:$0x3F85] =	sst lr;
	_ =	strace $0xD0000000  }
0x3: {  	_ = 	snop  }
0x4: {  	_ = 	snop  }
0x5: {  	_ = 	snop  }
0x6: {  	_ = 	snop  }
0x7: {  	_ = 	snop  }
__scs_overlays_trampoline_lowered:
0x8: {  	[smem:$0x3F94] =	sst s0  }
0x9: {  	[smem:$0x3F95] =	sst s1  }
0xa: {  	[smem:$0x3F96] =	sst s2  }
0xb: {  	[smem:$0x3F97] =	sst s3  }
0xc: {  	[smem:$0x3F98] =	sst s4  }
0xd: {  	[smem:$0x3F99] =	sst s5  }
0xe: {  	[smem:$0x3F9A] =	sst s6  }
0xf: {  	[smem:$0x3F9B] =	sst s7  }
0x10: {  	[smem:$0x3F9C] =	sst s8  }
0x11: {  	[smem:$0x3F9D] =	sst s9;
	s0 =	simm.s32 @!p0 $0x0  }
0x12: {  	s1 =	sld [smem:$0x3F83];
	s0 =	simm.s32 @p0 $0x1  }
0x13: {  	[smem:$0x3F9E] =	sst s0;
	s0 =	simm.s32 @!p1 $0x0  }
0x14: {  	s2 =	sld [smem:$0x3F82];
	s0 =	simm.s32 @p1 $0x1  }
0x15: {  	[smem:$0x3F9F] =	sst s0;
	s0 =	simm.s32 @!p2 $0x0  }
0x16: {  	s3 =	sld [smem:$0x3FDB];
	s0 =	simm.s32 @p2 $0x1  }
0x17: {  	s4 =	simm.s32 $0x1BF5;
	[smem:$0x3FA1] =	sst s0  }
0x18: {  	s0 =	sld [smem:$0x3F84];
	_ =	swait.ge [sflag:s4], $0x0  }
0x19: {  	s7 =	sld [smem:$0x3F85]  }
0x1a: {  	s8 =	sadd.s32 $0xFFFFE003, lr  }
0x1b: {  	s9 =	sadd.s32 $0xFFFFFEF7, lr;
	s5 =	simm.s32 $0xFFFFFFFF;
	p2 =	slt.u32 s8, $0xFFFFF086  }
0x1c: {  	p1 =	slt.u32 s9, $0xF7A;
	s5 =	simm.s32 @!p2 $0x0  }
0x1d: {  	s5 =	simm.s32 @p1 $0x1;
	p0 =	seq.s32 s7, s2  }
0x1e: {  	s7 =	smul.u32 @!p0 $0xF7A, s2;
	p2 =	seq.s32 @!p0 s5, $0x0  }
0x1f: {  	s9 =	smul.u32 $0xF7A, s1;
	s8 =	simm.s32 @!p0 $0x1BF5;
	p2 =	por !p2, p0  }
0x20: {  	[sflag:s8] =	ssyncset.s32 @!p0 $0xFFFFF086;
	s6 =	sadd.s32 @!p0 s3, s7;
	s7 =	simm.s32 @!p0 $0x108  }
0x21: {  	s3 =	sadd.s32 s3, s9;
	s6 =	sadd.s32 @!p0 $0x88, s6;
	s7 =	simm.s32 @p2 $0x1082  }
0x22: {  	[simem:s7], [sflag:s8] =	dma.local @!p0 [hbm:s6], $0xF7A  }
0x23: {  	s9 =	sor.u32 $0xD0000000, s2;
	s6 =	simm.s32 $0x108;
	_ =	swait.ge @!p0 [sflag:s8], $0x0  }
0x24: {  	s3 =	sadd.s32 $0x88, s3;
	s6 =	simm.s32 @!p1 $0x1082;
	[sflag:s4] =	ssyncset.s32 $0xFFFFF086  }
0x25: {  	[simem:s6], [sflag:s4] =	dma.local [hbm:s3], $0xF7A  }
0x26: {  	[smem:$0x3F85] =	sst s1;
	(tag) =	ssettag s2;
	_ =	strace s9  }
0x27: {  	s1 =	sld [smem:$0x3F95]  }
0x28: {  	s2 =	sld [smem:$0x3F96]  }
0x29: {  	s4 =	sld [smem:$0x3F98]  }
0x2a: {  	p0 =	seq.s32 s5, $0x0;
	s5 =	sld [smem:$0x3F99]  }
0x2b: {  	s6 =	sld [smem:$0x3F9A]  }
0x2c: {  	s7 =	sld [smem:$0x3F9B]  }
0x2d: {  	s3 =	simm.s32 $0x108;
	s8 =	sld [smem:$0x3F9C]  }
0x2e: {  	s3 =	simm.s32 @!p0 $0x1082;
	s9 =	sld [smem:$0x3F9D]  }
0x2f: {  	lr =	sadd.s32 s0, s3;
	s0 =	sld [smem:$0x3F94]  }
0x30: {  	s3 =	sld [smem:$0x3F97]  }
0x31: {  	[smem:$0x3FA0] =	sst s10  }
0x32: {  	s10 =	sld [smem:$0x3F9E];
	_ =	sdelay $0x3  }
0x33: {  	p0 =	seq.s32 s10, $0x1;
	s10 =	sld [smem:$0x3FA0];
	_ =	sdelay $0x3  }
0x34: {  	[smem:$0x3FA0] =	sst s10  }
0x35: {  	s10 =	sld [smem:$0x3F9F];
	_ =	sdelay $0x3  }
0x36: {  	p1 =	seq.s32 s10, $0x1;
	s10 =	sld [smem:$0x3FA0];
	_ =	sdelay $0x3  }
0x37: {  	[smem:$0x3FA0] =	sst s10  }
0x38: {  	s10 =	sld [smem:$0x3FA1]  }
0x39: {  	_ = 	snop;
	(pc) =	sbr.ind lr, $3  }
0x3a: {  	_ = 	snop  }
0x3b: {  	_ = 	snop  }
0x3c: {  	p2 =	seq.s32 s10, $0x1;
	s10 =	sld [smem:$0x3FA0]  }
0x3d: {  	_ =	shalt  }
0x3e: {  	_ =	shalt  }
0x3f: {  	_ =	shalt  }
0x40: {  	_ =	shalt  }
0x41: {  	_ =	shalt  }
0x42: {  	_ =	shalt  }
0x43: {  	_ =	shalt  }
0x44: {  	_ =	shalt  }
0x45: {  	_ =	shalt  }
0x46: {  	_ =	shalt  }
0x47: {  	_ =	shalt  }
0x48: {  	_ =	shalt  }
0x49: {  	_ =	shalt  }
0x4a: {  	_ =	shalt  }
0x4b: {  	_ =	shalt  }
0x4c: {  	_ =	shalt  }
0x4d: {  	_ =	shalt  }
0x4e: {  	_ =	shalt  }
0x4f: {  	_ =	shalt  }
0x50: {  	_ =	shalt  }
0x51: {  	_ =	shalt  }
0x52: {  	_ =	shalt  }
0x53: {  	_ =	shalt  }
0x54: {  	_ =	shalt  }
0x55: {  	_ =	shalt  }
0x56: {  	_ =	shalt  }
0x57: {  	_ =	shalt  }
0x58: {  	_ =	shalt  }
0x59: {  	_ =	shalt  }
0x5a: {  	_ =	shalt  }
0x5b: {  	_ =	shalt  }
0x5c: {  	_ =	shalt  }
0x5d: {  	_ =	shalt  }
0x5e: {  	_ =	shalt  }
0x5f: {  	_ =	shalt  }
0x60: {  	_ =	shalt  }
0x61: {  	_ =	shalt  }
0x62: {  	_ =	shalt  }
0x63: {  	_ =	shalt  }
0x64: {  	_ =	shalt  }
0x65: {  	_ =	shalt  }
0x66: {  	_ =	shalt  }
0x67: {  	_ =	shalt  }
0x68: {  	_ =	shalt  }
0x69: {  	_ =	shalt  }
0x6a: {  	_ =	shalt  }
0x6b: {  	_ =	shalt  }
0x6c: {  	_ =	shalt  }
0x6d: {  	_ =	shalt  }
0x6e: {  	_ =	shalt  }
0x6f: {  	_ =	shalt  }
0x70: {  	_ =	shalt  }
0x71: {  	_ =	shalt  }
0x72: {  	_ =	shalt  }
0x73: {  	_ =	shalt  }
0x74: {  	_ =	shalt  }
0x75: {  	_ =	shalt  }
0x76: {  	_ =	shalt  }
0x77: {  	_ =	shalt  }
0x78: {  	_ =	shalt  }
0x79: {  	_ =	shalt  }
0x7a: {  	_ =	shalt  }
0x7b: {  	_ =	shalt  }
0x7c: {  	_ =	shalt  }
0x7d: {  	_ =	shalt  }
0x7e: {  	_ =	shalt  }
0x7f: {  	_ =	shalt  }
0x80: {  	_ =	shalt  }
0x81: {  	_ =	shalt  }
0x82: {  	_ =	shalt  }
0x83: {  	_ =	shalt  }
0x84: {  	_ =	shalt  }
0x85: {  	_ =	shalt  }
0x86: {  	_ =	shalt  }
0x87: {  	_ =	shalt  }
.Lfunc_end0:
.L_simem_size_0:
called_computation_lowered:
.L_overlay_start_0:
0x88: {  	s2 =	sld [smem:$0x3FD9]  }
0x89: {  	s3 =	sld [smem:$0x3FFE];
	_ =	sdelay $0x1  }
0x8a: {  	s1 =	srdreg.scid  }
0x8b: {  	s0 =	sand.u32 $0x1, s1  }
0x8c: {  	s16 =	sshll.u32 s0, $0xA;
	s2 =	sadd.s32 s3, s2  }
0x8d: {  	s2 =	sadd.s32 s2, s16  }
0x8e: {  	[smem:$0x3FAC] =	sst s2  }
0x8f: {  	_ = 	snop  }
0x90: {  	(tm) =	ssettm $0x1  }
0x91: {  	s17 =	sld [smem:$0x3FFB];
	_ =	sdelay $0x3  }
0x92: {  	_ =	strace s17  }
0x93: {  	s2 =	sld [smem:$0x3FFC];
	_ =	sdelay $0x3  }
0x94: {  	_ =	strace s2  }
0x95: {  	s2 =	sld [smem:$0x3FFD];
	_ =	sdelay $0x3  }
0x96: {  	_ =	strace s2  }
0x97: {  	_ =	strace $0x8FFFFFFF  }
0x98: {  	s18 =	sld [smem:$0x3FDB];
	_ =	sdelay $0x1  }
0x99: {  	s19 =	simm.s32 $_scs_section_size  }
0x9a: {  	s4 =	simm.s32 $_size__tile_overlayer_lowered;
	s5 =	simm.s32 $_tile_overlayer_lowered  }
0x9b: {  	s22 =	simm.s32 $0x1BFF;
	s21 =	sshll.u32 s5, $0x1;
	s2 =	sadd.s32 s19, s18  }
0x9c: {  	s6 =	simm.s32 $0x0;
	s20 =	sshll.u32 s4, $0x1;
	s4 =	sadd.s32 s21, s2  }
0x9d: {  	[timem:s6], [sflag:s22] =	dma.local [hbm:s4], s20  }
0x9e: {  	_ =	swait.ge [sflag:s22], s20  }
0x9f: {  	s3 =	ssub.s32 $0x0, s20;
	[sflag:s22] =	ssyncset.done $0x0  }
0xa0: {  	[sflag:s22] =	ssyncadd.s32 s3;
	_ =	sdelay $0x1  }
0xa1: {  	s23 =	simm.s32 $0x1B8B  }
0xa2: {  	_ =	swait.ge [sflag:s23], $0x1  }
0xa3: {  	[sflag:s23] =	ssyncset.done $0x0  }
0xa4: {  	s25 =	simm.s32 $0x1B8E;
	s24 =	sld [smem:$0x3FFE];
	[sflag:s23] =	ssyncadd.s32 $0xFFFFFFFF  }
0xa5: {  	s26 =	simm.s32 $execute0_lowered;
	[smem:$0x3FD2] =	sst s25  }
0xa6: {  	s4 =	sshll.u32 s26, $0x1;
	_ =	strace $0x80000046;
	[dreg:$0x1] =	wrdreg $0xFFFFFFFF  }
0xa7: {  	s28 =	simm.s32 $_size_execute0_lowered;
	s2 =	sadd.s32 s2, s4;
	[dreg:$0x0] =	wrdreg $0x0  }
0xa8: {  	s4 =	sshll.u32 s28, $0x1;
	[dreg:$0x2] =	wrdreg s2  }
0xa9: {  	[dreg:$0x3] =	wrdreg s4  }
0xaa: {  	[dreg:$0x4] =	wrdreg $0xC0  }
0xab: {  	_ =	task [dreg:s6], $0x5FFFF  }
0xac: {  	[dreg:$0x1] =	wrdreg $0xFFFFFFFF  }
0xad: {  	[dreg:$0x0] =	wrdreg $0x60  }
0xae: {  	[dreg:$0x2] =	wrdreg s24  }
0xaf: {  	[dreg:$0x3] =	wrdreg $0x90000  }
0xb0: {  	[dreg:$0x4] =	wrdreg $0x130000  }
0xb1: {  	[dreg:$0x5] =	wrdreg $0x9  }
0xb2: {  	_ =	task.clear_ibuf [dreg:s6], $0x6FFFF;
	_ =	strace $0x90000046  }
0xb3: {  	s29 =	simm.s32 $0x9;
	_ =	strace $0x80000048  }
0xb4: {  	_ =	swait.ge [sflag:s29], $0x1  }
0xb5: {  	[sflag:s29] =	ssyncadd.s32 $0xFFFFFFFF  }
0xb6: {  	_ =	strace $0x90000048  }
0xb7: {  	_ =	sfence  }
0xb8: {  	s30 =	sld [smem:$0x0];
	_ =	sdelay $0x2  }
0xb9: {  	s31 =	sshll.u32 s1, $0xD;
	s1 =	sshrl.u32 s1, $0x2  }
0xba: {  	s3 =	sand.u32 $0x4000, s31;
	s1 =	sadd.s32 s1, s30  }
0xbb: {  	s0 =	sor.u32 s3, s0;
	s1 =	sshll.u32 s1, $0x11  }
0xbc: {  	s0 =	sor.u32 s1, s0  }
0xbd: {  	s0 =	sadd.s32 $0x8F2B, s0  }
0xbe: {  	[sflag:s0] =	ssyncadd.remote.s32 $0x1  }
0xbf: {  	_ =	sfence.sel $0xFFFF  }
0xc0: {  	[dreg:$0x0] =	wrdreg $0xFFFFFFFF;
	(pc) =	sbr.abs _section_cstart, $3  }
0xc1: {  	[dreg:$0x1] =	wrdreg $0xFFFFFFFF  }
0xc2: {  	_ =	task.clear_ibuf [dreg:s6], $0x2FFFF;
	_ =	strace $0x9FFFFFFF  }
0xc3: {  	(tm) =	ssettm $0x7FFFFFFF  }
tec
execute0_lowered:
.L_overlay_start_1:
0x0: {  	(tag) =	ssettag $0x1  }
0x1: {  	s6 =	rddreg [dreg:$0x0]  }
0x2: {  	s2 =	rddreg [dreg:$0x1]  }
0x3: {  	s0 =	srdreg.scid;
	s3 =	rddreg [dreg:$0x2];
	s4 =	simm.s32 $0x0  }
0x4: {  	s16 =	simm.s32 $0x1;
	s17 =	simm.s32 $0x80;
	s18 =	simm.s32 $0x2  }
0x5: {  	s19 =	simm.s32 $0x4F80;
	s5 =	sand.u32 $0x1, s0;
	s0 =	stileid.u32  }
0x6: {  	s20 =	simm.s32 $0x7000;
	s21 =	simm.s32 $0x0;
	s8 =	smul.u32 $0xA000, s0  }
0x7: {  	[smem:$0x7FF] =	sst s4;
	s1 =	sshll.u32 s5, $0x4;
	s10 =	smul.u32 $0xA0000, s5  }
0x8: {  	s30 =	ssub.s32 $0x2, s5;
	s5 =	sadd.s32 $0x40C00, s6;
	s31 =	sshll.u32 s0, $0x6  }
0x9: {  	s7 =	sor.u32 s0, s1;
	s1 =	rddreg [dreg:$0x3];
	_ =	strace $0x80000047  }
0xa: {  	s12 =	sshrl.u32 s30, $0x1;
	s7 =	smul.u32 $0x500, s7;
	s9 =	sshrl.u32 s8, $0x3  }
0xb: {  	s29 =	sadd.s32 s8, s10;
	s12 =	ssub.s32 s30, s12;
	s14 =	sadd.s32 s8, s2  }
0xc: {  	s9 =	sadd.s32 s9, s6;
	s11 =	sadd.s32 s7, s6;
	s7 =	sshrl.u32 s29, $0x3  }
0xd: {  	s15 =	sadd.s32 s8, s3;
	s13 =	sadd.s32 s7, s6;
	s6 =	sadd.s32 $0x18C00, s9  }
0xe: {  	s7 =	sor.u32 $0x1C03, s31;
	s8 =	sadd.s32 $0x2CC00, s11;
	s9 =	sadd.s32 $0x36C00, s11  }
0xf: {  	s11 =	smax.u32 s12, $0x1;
	s12 =	sshrl.u32 s14, $0x3;
	s14 =	sshrl.u32 s15, $0x3  }
0x10: {  	s15 =	simm.s32 $0x5000;
	s10 =	sadd.s32 $0x42000, s13;
	s13 =	simm.s32 $0x3  }
.LBB2_1:
0x11: {  	[spmem:s12], [sflag:s7] =	dma.local [hbm:s6], $0x1400  }
0x12: {  	_ =	swait.ge [sflag:s13], $0x1400  }
0x13: {  	[sflag:s13] =	ssyncset.done $0x0  }
0x14: {  	[sflag:s13] =	ssyncadd.s32 $0xFFFFEC00  }
0x15: {  	[spmem:s14], [sflag:s7] =	dma.local [hbm:s5], $0x1400  }
0x16: {  	_ =	swait.ge [sflag:s13], $0x1400  }
0x17: {  	[sflag:s13] =	ssyncset.done $0x0  }
0x18: {  	[sflag:s13] =	ssyncadd.s32 $0xFFFFEC00  }
0x19: {  	[tilespmem:s4], [sflag:$0x3] =	stream.linear.gather [hbm4b:s8+s4], $0x2800, $0x38;
	[tilespmem:$0x1D000] =	vst v63  }
0x1a: {  	_ =	swait.ge [sflag:s13], $0x2800  }
0x1b: {  	[sflag:s13] =	ssyncset.done $0x0  }
0x1c: {  	s22 =	simm.s32 $0x2800;
	[sflag:s13] =	ssyncadd.s32 $0xFFFFD800  }
0x1d: {  	[tilespmem:s22], [sflag:$0x3] =	stream.linear.gather [hbm4b:s9+s4], $0x2800, $0x38;
	[tilespmem:$0x1D000] =	vst v63  }
0x1e: {  	_ =	swait.ge [sflag:s13], $0x2800  }
0x1f: {  	[sflag:s13] =	ssyncset.done $0x0  }
0x20: {  	[sflag:s13] =	ssyncadd.s32 $0xFFFFD800  }
0x21: {  	[bflag:$0x0] =	sbarrier.arrive $0xFFFF  }
0x22: {  	[tilespmem:s15], [sflag:$0x1] =	stream.indirect.gather [spmem:s2], $0x40, s4, s17, $0xb8;
	[tilespmem:$0x1D000] =	vst v63  }
0x23: {  	s23 =	simm.s32 $0x0;
	_ =	swait.ge [sflag:s16], $0x2000  }
0x24: {  	s23 =	sand.u32 $0x2000, s23;
	[sflag:s16] =	ssyncset.done $0x0  }
0x25: {  	s24 =	sxor.u32 $0x7000, s23;
	[sflag:s16] =	ssyncadd.s32 $0xFFFFE000  }
0x26: {  	[tilespmem:s24], [sflag:$0x1] =	stream.indirect.gather [spmem:s2], $0x40, s17, s17, $0xb8;
	[tilespmem:$0x1D000] =	vst v63  }
0x27: {  	s23 =	sor.u32 $0x5000, s23  }
0x28: {  	[spmem:s3] =	stream.indirect.scatter.add.f32 [tilespmem:s23], [sflag:$0x2], $0x40, s22, s17, $0xb8;
	[tilespmem:$0x1D000] =	vst v63  }
0x29: {  	_ =	swait.ge [sflag:s18], $0x2000  }
0x2a: {  	s24 =	simm.s32 $0x80;
	s23 =	simm.s32 $0x1;
	[sflag:s18] =	ssyncset.done $0x0  }
.LBB2_2:
0x2b: {  	[sflag:s18] =	ssyncadd.s32 $0xFFFFE000;
	s22 =	sadd.s32 $0x80, s22;
	s24 =	sadd.s32 $0x80, s24  }
0x2c: {  	p0 =	sne.s32 s23, $0x4E;
	s25 =	smov.u32 s23;
	s23 =	sadd.s32 $0x1, s23  }
0x2d: {  	s25 =	sshll.u32 s25, $0xD;
	_ =	swait.ge [sflag:s16], $0x2000  }
0x2e: {  	s25 =	sand.u32 $0x2000, s25;
	[sflag:s16] =	ssyncset.done $0x0  }
0x2f: {  	s26 =	sxor.u32 $0x7000, s25;
	[sflag:s16] =	ssyncadd.s32 $0xFFFFE000  }
0x30: {  	[tilespmem:s26], [sflag:$0x1] =	stream.indirect.gather [spmem:s2], $0x40, s24, s17, $0xb8;
	[tilespmem:$0x1D000] =	vst v63  }
.Ltmp0:
0x31: {  	_ = 	snop;
	(pc) =	sbr.rel @p0 .LBB2_2-.Ltmp0, $4  }
0x32: {  	s25 =	sor.u32 $0x5000, s25  }
0x33: {  	[spmem:s3] =	stream.indirect.scatter.add.f32 [tilespmem:s25], [sflag:$0x2], $0x40, s22, s17, $0xb8;
	[tilespmem:$0x1D000] =	vst v63  }
0x34: {  	_ =	swait.ge [sflag:s18], $0x2000  }
0x35: {  	[sflag:s18] =	ssyncset.done $0x0  }
0x36: {  	[sflag:s18] =	ssyncadd.s32 $0xFFFFE000  }
0x37: {  	_ =	swait.ge [sflag:s16], $0x2000  }
0x38: {  	[sflag:s16] =	ssyncset.done $0x0  }
0x39: {  	[sflag:s16] =	ssyncadd.s32 $0xFFFFE000  }
0x3a: {  	[spmem:s3] =	stream.indirect.scatter.add.f32 [tilespmem:s20], [sflag:$0x2], $0x40, s19, s17, $0xb8;
	[tilespmem:$0x1D000] =	vst v63  }
0x3b: {  	_ =	swait.ge [sflag:s18], $0x2000  }
0x3c: {  	s21 =	sadd.s32 $0x1, s21;
	[sflag:s18] =	ssyncset.done $0x0  }
0x3d: {  	p0 =	sne.s32 s21, s11;
	[sflag:s18] =	ssyncadd.s32 $0xFFFFE000  }
.Ltmp1:
0x3e: {  	[bflag:$0x0] =	sbarrier.arrive $0xFFFF;
	(pc) =	sbr.rel @p0 .LBB2_1-.Ltmp1, $4  }
0x3f: {  	[hbm:s10], [sflag:s7] =	dma.local [spmem:s14], $0x1400  }
0x40: {  	_ =	swait.ge [sflag:s13], $0x1400  }
0x41: {  	[sflag:s13] =	ssyncset.done $0x0  }
0x42: {  	[sflag:s13] =	ssyncadd.s32 $0xFFFFEC00  }
0x43: {  	_ =	sfence.sel $0x180000  }
0x44: {  	[bflag:$0x0] =	sbarrier.arrive $0xFFFF  }
0x45: {  	p0 =	sne.s32 s0, $0x0;
	_ =	strace $0x90000047  }
0x46: {  	s0 =	sadd.s32 @!p0 $0x100000, s1;
	[bflag:$0x2] =	sbarrier.arrive $0xFFFF  }
0x47: {  	[sflag:s0] =	ssyncadd.tile.s32 @!p0 $0x1;
	_ =	shalt  }
.Lfunc_end2:
_tile_overlayer_lowered:
.L_overlay_start_2:
0x48: {  	(tag) =	ssettag $0x2  }
0x49: {  	s0 =	rddreg [dreg:$0x0];
	s2 =	stileid.u32  }
0x4a: {  	s1 =	rddreg [dreg:$0x1];
	p0 =	sne.s32 s2, $0x0  }
0x4b: {  	s3 =	rddreg [dreg:$0x2];
	[bflag:$0x3] =	sbarrier.arrive $0xFFFF;
	s2 =	simm.s32 @!p0 $0x1C03  }
0x4c: {  	[timem:s3], [sflag:s2] =	dma.local @!p0 [hbm:s0], s1  }
0x4d: {  	s0 =	simm.s32 @!p0 $0x3  }
0x4e: {  	_ =	swait.ge @!p0 [sflag:s0], s1  }
0x4f: {  	s1 =	ssub.s32 @!p0 $0x0, s1;
	[sflag:s0] =	ssyncset.done @!p0 $0x0  }
0x50: {  	[sflag:s0] =	ssyncadd.s32 @!p0 s1  }
0x51: {  	[bflag:$0x3] =	sbarrier.arrive $0xFFFF  }
0x52: {  	_ =	shalt  }

</sc_bundles>
